<compile_context>
chip_gen: v7x
topology: tpu7x:2x2x1
jax: 0.10.2.dev20260603
libtpu: 0.0.44.dev20260713+nightly
codegen_flags: <defaults>
</compile_context>

<pallas_src>
import functools

import jax
import jax.numpy as jnp
from jax import lax
from jax.experimental import pallas as pl
from jax.experimental.pallas import tpu as pltpu
from jax.experimental.pallas import tpu_sc as plsc

MAXLEN_ROWS = 2048
EMBED = 1024

_info = plsc.get_sparse_core_info()
_NC, _NS = _info.num_cores, _info.num_subcores
_NW = _NC * _NS
_ROWS_PER_W = MAXLEN_ROWS // _NW
_CHUNK = 16
_NCHUNK = _ROWS_PER_W // _CHUNK

_mesh = plsc.VectorSubcoreMesh(core_axis_name="c", subcore_axis_name="s")


@functools.partial(
    pl.kernel,
    mesh=_mesh,
    out_type=jax.ShapeDtypeStruct((MAXLEN_ROWS, EMBED), jnp.float32),
    scratch_types=[
        pltpu.VMEM((_NCHUNK, _CHUNK, EMBED), jnp.float32),
        pltpu.SemaphoreType.DMA,
        pltpu.SemaphoreType.DMA,
        pltpu.SemaphoreType.DMA,
        pltpu.SemaphoreType.DMA,
        pltpu.SemaphoreType.DMA,
    ],
)
def _copy_rows(table_hbm, out_hbm, buf, s0, s1, s2, s3, out_sem):
    wid = lax.axis_index("s") * _NC + lax.axis_index("c")
    base = wid * _ROWS_PER_W
    in_sems = (s0, s1, s2, s3)

    def _in(i):
        return pltpu.make_async_copy(
            table_hbm.at[pl.ds(base + i * _CHUNK, _CHUNK)], buf.at[i], in_sems[i]
        )

    def _out(i):
        return pltpu.make_async_copy(
            buf.at[i], out_hbm.at[pl.ds(base + i * _CHUNK, _CHUNK)], out_sem
        )

    for i in range(_NCHUNK):
        _in(i).start()
    for i in range(_NCHUNK):
        _in(i).wait()
        _out(i).start()
    for i in range(_NCHUNK):
        _out(i).wait()


def kernel(x, pos_table):
    del x
    return _copy_rows(pos_table)

# --- scband reference (transcript-rebuilt; emitter-appended) ---
"""Pipeline reference for scband-position-embedding-19155554140272 (READ-ONLY COPY).

The authoritative reference and input builder live on the scoring server;
editing this copy changes nothing except your own understanding.
"""

import jax, jax.numpy as jnp
import numpy as np

MAXLEN = 2048
EMBED_DIM = 1024
BATCH = 4

def setup_inputs(seed: int = 0) -> dict:
    key = jax.random.key(seed)
    k1, k2 = jax.random.split(key)
    # forward arg (note: the original layer ignores x's values, only the
    # global maxlen is used; we still materialize it per the forward signature)
    x = jax.random.normal(k1, (BATCH, MAXLEN, EMBED_DIM), dtype=jnp.float32)
    # learned parameter: position embedding table [maxlen, embed_dim]
    pos_table = jax.random.normal(k2, (MAXLEN, EMBED_DIM), dtype=jnp.float32) * 0.02
    return {"x": x, "pos_table": pos_table}

def reference(x, pos_table):
    # Faithful translation of PositionEmbedding.call:
    #   positions = tf.range(0, maxlen, 1)
    #   return self.pos_emb(positions)
    positions = jnp.arange(0, MAXLEN, 1)
    out = jnp.take(pos_table, positions, axis=0)  # embedding lookup (gather)
    return out

if __name__ == "__main__":
    import jax
    _d = setup_inputs()
    print(jax.jit(kernel)(*tuple(_d.values())))

</pallas_src>

<mosaic_0001>
#map = affine_map<(d0, d1) -> (0, 0)>
module attributes {stable_mosaic.version = 14 : i64} {
  func.func @_copy_rows(%arg0: i32, %arg1: i32, %arg2: memref<2048x1024xf32, #tpu.memory_space<hbm>>, %arg3: memref<2048x1024xf32, #tpu.memory_space<hbm>>, %arg4: memref<4x16x1024xf32, #tpu.memory_space<vmem>>, %arg5: memref<!tpu.dma_semaphore, #tpu.memory_space<semaphore_mem>>, %arg6: memref<!tpu.dma_semaphore, #tpu.memory_space<semaphore_mem>>, %arg7: memref<!tpu.dma_semaphore, #tpu.memory_space<semaphore_mem>>, %arg8: memref<!tpu.dma_semaphore, #tpu.memory_space<semaphore_mem>>, %arg9: memref<!tpu.dma_semaphore, #tpu.memory_space<semaphore_mem>>) attributes {dimension_semantics = [#tpu.dimension_semantics<core_parallel>, #tpu.dimension_semantics<subcore_parallel>], iteration_bounds = array<i64: 2, 16>, scalar_prefetch = 0 : i64, scratch_operands = 6 : i64, tpu.core_type = #tpu.core_type<sc_vector_subcore>, window_params = [{transform_indices = #map}, {transform_indices = #map}]} {
    %mul3A = arith.constant 2 : i32
    %mul3A_0 = arith.muli %arg1, %mul3A : i32
    %add3A = arith.addi %mul3A_0, %arg0 : i32
    %mul3A_1 = arith.constant 64 : i32
    %mul3A_2 = arith.muli %add3A, %mul3A_1 : i32
    %add3A_3 = arith.constant 0 : i32
    %add3A_4 = arith.addi %mul3A_2, %add3A_3 : i32
    %dma_start3A = arith.constant 0 : i32
    %dma_start3A_5 = arith.constant 0 : i32
    %dma_start3A_6 = arith.constant 0 : i32
    %dma_start3A_7 = tpu.memref_slice %arg4[%dma_start3A, %dma_start3A_5, %dma_start3A_6] : memref<4x16x1024xf32, #tpu.memory_space<vmem>> -> memref<1x16x1024xf32, #tpu.memory_space<vmem>>
    %dma_start3A_8 = tpu.memref_squeeze %dma_start3A_7 : memref<1x16x1024xf32, #tpu.memory_space<vmem>> -> memref<16x1024xf32, #tpu.memory_space<vmem>>
    %dma_start3A_9 = arith.constant 0 : i32
    %dma_start3A_10 = tpu.memref_slice %arg2[%add3A_4, %dma_start3A_9] : memref<2048x1024xf32, #tpu.memory_space<hbm>> -> memref<16x1024xf32, #tpu.memory_space<hbm>>
    %dma_start3A_11 = arith.constant 0 : i32
    %dma_start3A_12 = arith.constant 0 : i32
    %dma_start3A_13 = tpu.memref_slice %arg4[%dma_start3A, %dma_start3A_11, %dma_start3A_12] : memref<4x16x1024xf32, #tpu.memory_space<vmem>> -> memref<1x16x1024xf32, #tpu.memory_space<vmem>>
    %dma_start3A_14 = tpu.memref_squeeze %dma_start3A_13 : memref<1x16x1024xf32, #tpu.memory_space<vmem>> -> memref<16x1024xf32, #tpu.memory_space<vmem>>
    %dma_start3A_15 = arith.constant 0 : i32
    %dma_start3A_16 = tpu.memref_slice %arg2[%add3A_4, %dma_start3A_15] : memref<2048x1024xf32, #tpu.memory_space<hbm>> -> memref<16x1024xf32, #tpu.memory_space<hbm>>
    tpu.enqueue_dma source(%dma_start3A_16 : memref<16x1024xf32, #tpu.memory_space<hbm>>) target(%dma_start3A_14 : memref<16x1024xf32, #tpu.memory_space<vmem>>) target_semaphore(%arg5 : memref<!tpu.dma_semaphore, #tpu.memory_space<semaphore_mem>>)
    %add3A_17 = arith.constant 16 : i32
    %add3A_18 = arith.addi %mul3A_2, %add3A_17 : i32
    %dma_start3A_19 = arith.constant 1 : i32
    %dma_start3A_20 = arith.constant 0 : i32
    %dma_start3A_21 = arith.constant 0 : i32
    %dma_start3A_22 = tpu.memref_slice %arg4[%dma_start3A_19, %dma_start3A_20, %dma_start3A_21] : memref<4x16x1024xf32, #tpu.memory_space<vmem>> -> memref<1x16x1024xf32, #tpu.memory_space<vmem>>
    %dma_start3A_23 = tpu.memref_squeeze %dma_start3A_22 : memref<1x16x1024xf32, #tpu.memory_space<vmem>> -> memref<16x1024xf32, #tpu.memory_space<vmem>>
    %dma_start3A_24 = arith.constant 0 : i32
    %dma_start3A_25 = tpu.memref_slice %arg2[%add3A_18, %dma_start3A_24] : memref<2048x1024xf32, #tpu.memory_space<hbm>> -> memref<16x1024xf32, #tpu.memory_space<hbm>>
    %dma_start3A_26 = arith.constant 0 : i32
    %dma_start3A_27 = arith.constant 0 : i32
    %dma_start3A_28 = tpu.memref_slice %arg4[%dma_start3A_19, %dma_start3A_26, %dma_start3A_27] : memref<4x16x1024xf32, #tpu.memory_space<vmem>> -> memref<1x16x1024xf32, #tpu.memory_space<vmem>>
    %dma_start3A_29 = tpu.memref_squeeze %dma_start3A_28 : memref<1x16x1024xf32, #tpu.memory_space<vmem>> -> memref<16x1024xf32, #tpu.memory_space<vmem>>
    %dma_start3A_30 = arith.constant 0 : i32
    %dma_start3A_31 = tpu.memref_slice %arg2[%add3A_18, %dma_start3A_30] : memref<2048x1024xf32, #tpu.memory_space<hbm>> -> memref<16x1024xf32, #tpu.memory_space<hbm>>
    tpu.enqueue_dma source(%dma_start3A_31 : memref<16x1024xf32, #tpu.memory_space<hbm>>) target(%dma_start3A_29 : memref<16x1024xf32, #tpu.memory_space<vmem>>) target_semaphore(%arg6 : memref<!tpu.dma_semaphore, #tpu.memory_space<semaphore_mem>>)
    %add3A_32 = arith.constant 32 : i32
    %add3A_33 = arith.addi %mul3A_2, %add3A_32 : i32
    %dma_start3A_34 = arith.constant 2 : i32
    %dma_start3A_35 = arith.constant 0 : i32
    %dma_start3A_36 = arith.constant 0 : i32
    %dma_start3A_37 = tpu.memref_slice %arg4[%dma_start3A_34, %dma_start3A_35, %dma_start3A_36] : memref<4x16x1024xf32, #tpu.memory_space<vmem>> -> memref<1x16x1024xf32, #tpu.memory_space<vmem>>
    %dma_start3A_38 = tpu.memref_squeeze %dma_start3A_37 : memref<1x16x1024xf32, #tpu.memory_space<vmem>> -> memref<16x1024xf32, #tpu.memory_space<vmem>>
    %dma_start3A_39 = arith.constant 0 : i32
    %dma_start3A_40 = tpu.memref_slice %arg2[%add3A_33, %dma_start3A_39] : memref<2048x1024xf32, #tpu.memory_space<hbm>> -> memref<16x1024xf32, #tpu.memory_space<hbm>>
    %dma_start3A_41 = arith.constant 0 : i32
    %dma_start3A_42 = arith.constant 0 : i32
    %dma_start3A_43 = tpu.memref_slice %arg4[%dma_start3A_34, %dma_start3A_41, %dma_start3A_42] : memref<4x16x1024xf32, #tpu.memory_space<vmem>> -> memref<1x16x1024xf32, #tpu.memory_space<vmem>>
    %dma_start3A_44 = tpu.memref_squeeze %dma_start3A_43 : memref<1x16x1024xf32, #tpu.memory_space<vmem>> -> memref<16x1024xf32, #tpu.memory_space<vmem>>
    %dma_start3A_45 = arith.constant 0 : i32
    %dma_start3A_46 = tpu.memref_slice %arg2[%add3A_33, %dma_start3A_45] : memref<2048x1024xf32, #tpu.memory_space<hbm>> -> memref<16x1024xf32, #tpu.memory_space<hbm>>
    tpu.enqueue_dma source(%dma_start3A_46 : memref<16x1024xf32, #tpu.memory_space<hbm>>) target(%dma_start3A_44 : memref<16x1024xf32, #tpu.memory_space<vmem>>) target_semaphore(%arg7 : memref<!tpu.dma_semaphore, #tpu.memory_space<semaphore_mem>>)
    %add3A_47 = arith.constant 48 : i32
    %add3A_48 = arith.addi %mul3A_2, %add3A_47 : i32
    %dma_start3A_49 = arith.constant 3 : i32
    %dma_start3A_50 = arith.constant 0 : i32
    %dma_start3A_51 = arith.constant 0 : i32
    %dma_start3A_52 = tpu.memref_slice %arg4[%dma_start3A_49, %dma_start3A_50, %dma_start3A_51] : memref<4x16x1024xf32, #tpu.memory_space<vmem>> -> memref<1x16x1024xf32, #tpu.memory_space<vmem>>
    %dma_start3A_53 = tpu.memref_squeeze %dma_start3A_52 : memref<1x16x1024xf32, #tpu.memory_space<vmem>> -> memref<16x1024xf32, #tpu.memory_space<vmem>>
    %dma_start3A_54 = arith.constant 0 : i32
    %dma_start3A_55 = tpu.memref_slice %arg2[%add3A_48, %dma_start3A_54] : memref<2048x1024xf32, #tpu.memory_space<hbm>> -> memref<16x1024xf32, #tpu.memory_space<hbm>>
    %dma_start3A_56 = arith.constant 0 : i32
    %dma_start3A_57 = arith.constant 0 : i32
    %dma_start3A_58 = tpu.memref_slice %arg4[%dma_start3A_49, %dma_start3A_56, %dma_start3A_57] : memref<4x16x1024xf32, #tpu.memory_space<vmem>> -> memref<1x16x1024xf32, #tpu.memory_space<vmem>>
    %dma_start3A_59 = tpu.memref_squeeze %dma_start3A_58 : memref<1x16x1024xf32, #tpu.memory_space<vmem>> -> memref<16x1024xf32, #tpu.memory_space<vmem>>
    %dma_start3A_60 = arith.constant 0 : i32
    %dma_start3A_61 = tpu.memref_slice %arg2[%add3A_48, %dma_start3A_60] : memref<2048x1024xf32, #tpu.memory_space<hbm>> -> memref<16x1024xf32, #tpu.memory_space<hbm>>
    tpu.enqueue_dma source(%dma_start3A_61 : memref<16x1024xf32, #tpu.memory_space<hbm>>) target(%dma_start3A_59 : memref<16x1024xf32, #tpu.memory_space<vmem>>) target_semaphore(%arg8 : memref<!tpu.dma_semaphore, #tpu.memory_space<semaphore_mem>>)
    %add3A_62 = arith.constant 0 : i32
    %add3A_63 = arith.addi %mul3A_2, %add3A_62 : i32
    %dma_wait3A = arith.constant 0 : i32
    %dma_wait3A_64 = arith.constant 0 : i32
    %dma_wait3A_65 = arith.constant 0 : i32
    %dma_wait3A_66 = tpu.memref_slice %arg4[%dma_wait3A, %dma_wait3A_64, %dma_wait3A_65] : memref<4x16x1024xf32, #tpu.memory_space<vmem>> -> memref<1x16x1024xf32, #tpu.memory_space<vmem>>
    %dma_wait3A_67 = tpu.memref_squeeze %dma_wait3A_66 : memref<1x16x1024xf32, #tpu.memory_space<vmem>> -> memref<16x1024xf32, #tpu.memory_space<vmem>>
    %dma_wait3A_68 = arith.constant 0 : i32
    %dma_wait3A_69 = tpu.memref_slice %arg2[%add3A_63, %dma_wait3A_68] : memref<2048x1024xf32, #tpu.memory_space<hbm>> -> memref<16x1024xf32, #tpu.memory_space<hbm>>
    %dma_wait3A_70 = arith.constant 0 : i32
    %dma_wait3A_71 = arith.constant 0 : i32
    %dma_wait3A_72 = tpu.memref_slice %arg4[%dma_wait3A, %dma_wait3A_70, %dma_wait3A_71] : memref<4x16x1024xf32, #tpu.memory_space<vmem>> -> memref<1x16x1024xf32, #tpu.memory_space<vmem>>
    %dma_wait3A_73 = tpu.memref_squeeze %dma_wait3A_72 : memref<1x16x1024xf32, #tpu.memory_space<vmem>> -> memref<16x1024xf32, #tpu.memory_space<vmem>>
    %dma_wait3A_74 = arith.constant 0 : i32
    %dma_wait3A_75 = tpu.memref_slice %arg2[%add3A_63, %dma_wait3A_74] : memref<2048x1024xf32, #tpu.memory_space<hbm>> -> memref<16x1024xf32, #tpu.memory_space<hbm>>
    tpu.wait_dma2 semaphore(%arg5 : memref<!tpu.dma_semaphore, #tpu.memory_space<semaphore_mem>>) src(%dma_wait3A_75 : memref<16x1024xf32, #tpu.memory_space<hbm>>) dst(%dma_wait3A_73 : memref<16x1024xf32, #tpu.memory_space<vmem>>)
    %add3A_76 = arith.constant 0 : i32
    %add3A_77 = arith.addi %mul3A_2, %add3A_76 : i32
    %dma_start3A_78 = arith.constant 0 : i32
    %dma_start3A_79 = arith.constant 0 : i32
    %dma_start3A_80 = arith.constant 0 : i32
    %dma_start3A_81 = tpu.memref_slice %arg4[%dma_start3A_78, %dma_start3A_79, %dma_start3A_80] : memref<4x16x1024xf32, #tpu.memory_space<vmem>> -> memref<1x16x1024xf32, #tpu.memory_space<vmem>>
    %dma_start3A_82 = tpu.memref_squeeze %dma_start3A_81 : memref<1x16x1024xf32, #tpu.memory_space<vmem>> -> memref<16x1024xf32, #tpu.memory_space<vmem>>
    %dma_start3A_83 = arith.constant 0 : i32
    %dma_start3A_84 = tpu.memref_slice %arg3[%add3A_77, %dma_start3A_83] : memref<2048x1024xf32, #tpu.memory_space<hbm>> -> memref<16x1024xf32, #tpu.memory_space<hbm>>
    %dma_start3A_85 = arith.constant 0 : i32
    %dma_start3A_86 = tpu.memref_slice %arg3[%add3A_77, %dma_start3A_85] : memref<2048x1024xf32, #tpu.memory_space<hbm>> -> memref<16x1024xf32, #tpu.memory_space<hbm>>
    %dma_start3A_87 = arith.constant 0 : i32
    %dma_start3A_88 = arith.constant 0 : i32
    %dma_start3A_89 = tpu.memref_slice %arg4[%dma_start3A_78, %dma_start3A_87, %dma_start3A_88] : memref<4x16x1024xf32, #tpu.memory_space<vmem>> -> memref<1x16x1024xf32, #tpu.memory_space<vmem>>
    %dma_start3A_90 = tpu.memref_squeeze %dma_start3A_89 : memref<1x16x1024xf32, #tpu.memory_space<vmem>> -> memref<16x1024xf32, #tpu.memory_space<vmem>>
    tpu.enqueue_dma source(%dma_start3A_90 : memref<16x1024xf32, #tpu.memory_space<vmem>>) target(%dma_start3A_86 : memref<16x1024xf32, #tpu.memory_space<hbm>>) target_semaphore(%arg9 : memref<!tpu.dma_semaphore, #tpu.memory_space<semaphore_mem>>)
    %add3A_91 = arith.constant 16 : i32
    %add3A_92 = arith.addi %mul3A_2, %add3A_91 : i32
    %dma_wait3A_93 = arith.constant 1 : i32
    %dma_wait3A_94 = arith.constant 0 : i32
    %dma_wait3A_95 = arith.constant 0 : i32
    %dma_wait3A_96 = tpu.memref_slice %arg4[%dma_wait3A_93, %dma_wait3A_94, %dma_wait3A_95] : memref<4x16x1024xf32, #tpu.memory_space<vmem>> -> memref<1x16x1024xf32, #tpu.memory_space<vmem>>
    %dma_wait3A_97 = tpu.memref_squeeze %dma_wait3A_96 : memref<1x16x1024xf32, #tpu.memory_space<vmem>> -> memref<16x1024xf32, #tpu.memory_space<vmem>>
    %dma_wait3A_98 = arith.constant 0 : i32
    %dma_wait3A_99 = tpu.memref_slice %arg2[%add3A_92, %dma_wait3A_98] : memref<2048x1024xf32, #tpu.memory_space<hbm>> -> memref<16x1024xf32, #tpu.memory_space<hbm>>
    %dma_wait3A_100 = arith.constant 0 : i32
    %dma_wait3A_101 = arith.constant 0 : i32
    %dma_wait3A_102 = tpu.memref_slice %arg4[%dma_wait3A_93, %dma_wait3A_100, %dma_wait3A_101] : memref<4x16x1024xf32, #tpu.memory_space<vmem>> -> memref<1x16x1024xf32, #tpu.memory_space<vmem>>
    %dma_wait3A_103 = tpu.memref_squeeze %dma_wait3A_102 : memref<1x16x1024xf32, #tpu.memory_space<vmem>> -> memref<16x1024xf32, #tpu.memory_space<vmem>>
    %dma_wait3A_104 = arith.constant 0 : i32
    %dma_wait3A_105 = tpu.memref_slice %arg2[%add3A_92, %dma_wait3A_104] : memref<2048x1024xf32, #tpu.memory_space<hbm>> -> memref<16x1024xf32, #tpu.memory_space<hbm>>
    tpu.wait_dma2 semaphore(%arg6 : memref<!tpu.dma_semaphore, #tpu.memory_space<semaphore_mem>>) src(%dma_wait3A_105 : memref<16x1024xf32, #tpu.memory_space<hbm>>) dst(%dma_wait3A_103 : memref<16x1024xf32, #tpu.memory_space<vmem>>)
    %add3A_106 = arith.constant 16 : i32
    %add3A_107 = arith.addi %mul3A_2, %add3A_106 : i32
    %dma_start3A_108 = arith.constant 1 : i32
    %dma_start3A_109 = arith.constant 0 : i32
    %dma_start3A_110 = arith.constant 0 : i32
    %dma_start3A_111 = tpu.memref_slice %arg4[%dma_start3A_108, %dma_start3A_109, %dma_start3A_110] : memref<4x16x1024xf32, #tpu.memory_space<vmem>> -> memref<1x16x1024xf32, #tpu.memory_space<vmem>>
    %dma_start3A_112 = tpu.memref_squeeze %dma_start3A_111 : memref<1x16x1024xf32, #tpu.memory_space<vmem>> -> memref<16x1024xf32, #tpu.memory_space<vmem>>
    %dma_start3A_113 = arith.constant 0 : i32
    %dma_start3A_114 = tpu.memref_slice %arg3[%add3A_107, %dma_start3A_113] : memref<2048x1024xf32, #tpu.memory_space<hbm>> -> memref<16x1024xf32, #tpu.memory_space<hbm>>
    %dma_start3A_115 = arith.constant 0 : i32
    %dma_start3A_116 = tpu.memref_slice %arg3[%add3A_107, %dma_start3A_115] : memref<2048x1024xf32, #tpu.memory_space<hbm>> -> memref<16x1024xf32, #tpu.memory_space<hbm>>
    %dma_start3A_117 = arith.constant 0 : i32
    %dma_start3A_118 = arith.constant 0 : i32
    %dma_start3A_119 = tpu.memref_slice %arg4[%dma_start3A_108, %dma_start3A_117, %dma_start3A_118] : memref<4x16x1024xf32, #tpu.memory_space<vmem>> -> memref<1x16x1024xf32, #tpu.memory_space<vmem>>
    %dma_start3A_120 = tpu.memref_squeeze %dma_start3A_119 : memref<1x16x1024xf32, #tpu.memory_space<vmem>> -> memref<16x1024xf32, #tpu.memory_space<vmem>>
    tpu.enqueue_dma source(%dma_start3A_120 : memref<16x1024xf32, #tpu.memory_space<vmem>>) target(%dma_start3A_116 : memref<16x1024xf32, #tpu.memory_space<hbm>>) target_semaphore(%arg9 : memref<!tpu.dma_semaphore, #tpu.memory_space<semaphore_mem>>)
    %add3A_121 = arith.constant 32 : i32
    %add3A_122 = arith.addi %mul3A_2, %add3A_121 : i32
    %dma_wait3A_123 = arith.constant 2 : i32
    %dma_wait3A_124 = arith.constant 0 : i32
    %dma_wait3A_125 = arith.constant 0 : i32
    %dma_wait3A_126 = tpu.memref_slice %arg4[%dma_wait3A_123, %dma_wait3A_124, %dma_wait3A_125] : memref<4x16x1024xf32, #tpu.memory_space<vmem>> -> memref<1x16x1024xf32, #tpu.memory_space<vmem>>
    %dma_wait3A_127 = tpu.memref_squeeze %dma_wait3A_126 : memref<1x16x1024xf32, #tpu.memory_space<vmem>> -> memref<16x1024xf32, #tpu.memory_space<vmem>>
    %dma_wait3A_128 = arith.constant 0 : i32
    %dma_wait3A_129 = tpu.memref_slice %arg2[%add3A_122, %dma_wait3A_128] : memref<2048x1024xf32, #tpu.memory_space<hbm>> -> memref<16x1024xf32, #tpu.memory_space<hbm>>
    %dma_wait3A_130 = arith.constant 0 : i32
    %dma_wait3A_131 = arith.constant 0 : i32
    %dma_wait3A_132 = tpu.memref_slice %arg4[%dma_wait3A_123, %dma_wait3A_130, %dma_wait3A_131] : memref<4x16x1024xf32, #tpu.memory_space<vmem>> -> memref<1x16x1024xf32, #tpu.memory_space<vmem>>
    %dma_wait3A_133 = tpu.memref_squeeze %dma_wait3A_132 : memref<1x16x1024xf32, #tpu.memory_space<vmem>> -> memref<16x1024xf32, #tpu.memory_space<vmem>>
    %dma_wait3A_134 = arith.constant 0 : i32
    %dma_wait3A_135 = tpu.memref_slice %arg2[%add3A_122, %dma_wait3A_134] : memref<2048x1024xf32, #tpu.memory_space<hbm>> -> memref<16x1024xf32, #tpu.memory_space<hbm>>
    tpu.wait_dma2 semaphore(%arg7 : memref<!tpu.dma_semaphore, #tpu.memory_space<semaphore_mem>>) src(%dma_wait3A_135 : memref<16x1024xf32, #tpu.memory_space<hbm>>) dst(%dma_wait3A_133 : memref<16x1024xf32, #tpu.memory_space<vmem>>)
    %add3A_136 = arith.constant 32 : i32
    %add3A_137 = arith.addi %mul3A_2, %add3A_136 : i32
    %dma_start3A_138 = arith.constant 2 : i32
    %dma_start3A_139 = arith.constant 0 : i32
    %dma_start3A_140 = arith.constant 0 : i32
    %dma_start3A_141 = tpu.memref_slice %arg4[%dma_start3A_138, %dma_start3A_139, %dma_start3A_140] : memref<4x16x1024xf32, #tpu.memory_space<vmem>> -> memref<1x16x1024xf32, #tpu.memory_space<vmem>>
    %dma_start3A_142 = tpu.memref_squeeze %dma_start3A_141 : memref<1x16x1024xf32, #tpu.memory_space<vmem>> -> memref<16x1024xf32, #tpu.memory_space<vmem>>
    %dma_start3A_143 = arith.constant 0 : i32
    %dma_start3A_144 = tpu.memref_slice %arg3[%add3A_137, %dma_start3A_143] : memref<2048x1024xf32, #tpu.memory_space<hbm>> -> memref<16x1024xf32, #tpu.memory_space<hbm>>
    %dma_start3A_145 = arith.constant 0 : i32
    %dma_start3A_146 = tpu.memref_slice %arg3[%add3A_137, %dma_start3A_145] : memref<2048x1024xf32, #tpu.memory_space<hbm>> -> memref<16x1024xf32, #tpu.memory_space<hbm>>
    %dma_start3A_147 = arith.constant 0 : i32
    %dma_start3A_148 = arith.constant 0 : i32
    %dma_start3A_149 = tpu.memref_slice %arg4[%dma_start3A_138, %dma_start3A_147, %dma_start3A_148] : memref<4x16x1024xf32, #tpu.memory_space<vmem>> -> memref<1x16x1024xf32, #tpu.memory_space<vmem>>
    %dma_start3A_150 = tpu.memref_squeeze %dma_start3A_149 : memref<1x16x1024xf32, #tpu.memory_space<vmem>> -> memref<16x1024xf32, #tpu.memory_space<vmem>>
    tpu.enqueue_dma source(%dma_start3A_150 : memref<16x1024xf32, #tpu.memory_space<vmem>>) target(%dma_start3A_146 : memref<16x1024xf32, #tpu.memory_space<hbm>>) target_semaphore(%arg9 : memref<!tpu.dma_semaphore, #tpu.memory_space<semaphore_mem>>)
    %add3A_151 = arith.constant 48 : i32
    %add3A_152 = arith.addi %mul3A_2, %add3A_151 : i32
    %dma_wait3A_153 = arith.constant 3 : i32
    %dma_wait3A_154 = arith.constant 0 : i32
    %dma_wait3A_155 = arith.constant 0 : i32
    %dma_wait3A_156 = tpu.memref_slice %arg4[%dma_wait3A_153, %dma_wait3A_154, %dma_wait3A_155] : memref<4x16x1024xf32, #tpu.memory_space<vmem>> -> memref<1x16x1024xf32, #tpu.memory_space<vmem>>
    %dma_wait3A_157 = tpu.memref_squeeze %dma_wait3A_156 : memref<1x16x1024xf32, #tpu.memory_space<vmem>> -> memref<16x1024xf32, #tpu.memory_space<vmem>>
    %dma_wait3A_158 = arith.constant 0 : i32
    %dma_wait3A_159 = tpu.memref_slice %arg2[%add3A_152, %dma_wait3A_158] : memref<2048x1024xf32, #tpu.memory_space<hbm>> -> memref<16x1024xf32, #tpu.memory_space<hbm>>
    %dma_wait3A_160 = arith.constant 0 : i32
    %dma_wait3A_161 = arith.constant 0 : i32
    %dma_wait3A_162 = tpu.memref_slice %arg4[%dma_wait3A_153, %dma_wait3A_160, %dma_wait3A_161] : memref<4x16x1024xf32, #tpu.memory_space<vmem>> -> memref<1x16x1024xf32, #tpu.memory_space<vmem>>
    %dma_wait3A_163 = tpu.memref_squeeze %dma_wait3A_162 : memref<1x16x1024xf32, #tpu.memory_space<vmem>> -> memref<16x1024xf32, #tpu.memory_space<vmem>>
    %dma_wait3A_164 = arith.constant 0 : i32
    %dma_wait3A_165 = tpu.memref_slice %arg2[%add3A_152, %dma_wait3A_164] : memref<2048x1024xf32, #tpu.memory_space<hbm>> -> memref<16x1024xf32, #tpu.memory_space<hbm>>
    tpu.wait_dma2 semaphore(%arg8 : memref<!tpu.dma_semaphore, #tpu.memory_space<semaphore_mem>>) src(%dma_wait3A_165 : memref<16x1024xf32, #tpu.memory_space<hbm>>) dst(%dma_wait3A_163 : memref<16x1024xf32, #tpu.memory_space<vmem>>)
    %add3A_166 = arith.constant 48 : i32
    %add3A_167 = arith.addi %mul3A_2, %add3A_166 : i32
    %dma_start3A_168 = arith.constant 3 : i32
    %dma_start3A_169 = arith.constant 0 : i32
    %dma_start3A_170 = arith.constant 0 : i32
    %dma_start3A_171 = tpu.memref_slice %arg4[%dma_start3A_168, %dma_start3A_169, %dma_start3A_170] : memref<4x16x1024xf32, #tpu.memory_space<vmem>> -> memref<1x16x1024xf32, #tpu.memory_space<vmem>>
    %dma_start3A_172 = tpu.memref_squeeze %dma_start3A_171 : memref<1x16x1024xf32, #tpu.memory_space<vmem>> -> memref<16x1024xf32, #tpu.memory_space<vmem>>
    %dma_start3A_173 = arith.constant 0 : i32
    %dma_start3A_174 = tpu.memref_slice %arg3[%add3A_167, %dma_start3A_173] : memref<2048x1024xf32, #tpu.memory_space<hbm>> -> memref<16x1024xf32, #tpu.memory_space<hbm>>
    %dma_start3A_175 = arith.constant 0 : i32
    %dma_start3A_176 = tpu.memref_slice %arg3[%add3A_167, %dma_start3A_175] : memref<2048x1024xf32, #tpu.memory_space<hbm>> -> memref<16x1024xf32, #tpu.memory_space<hbm>>
    %dma_start3A_177 = arith.constant 0 : i32
    %dma_start3A_178 = arith.constant 0 : i32
    %dma_start3A_179 = tpu.memref_slice %arg4[%dma_start3A_168, %dma_start3A_177, %dma_start3A_178] : memref<4x16x1024xf32, #tpu.memory_space<vmem>> -> memref<1x16x1024xf32, #tpu.memory_space<vmem>>
    %dma_start3A_180 = tpu.memref_squeeze %dma_start3A_179 : memref<1x16x1024xf32, #tpu.memory_space<vmem>> -> memref<16x1024xf32, #tpu.memory_space<vmem>>
    tpu.enqueue_dma source(%dma_start3A_180 : memref<16x1024xf32, #tpu.memory_space<vmem>>) target(%dma_start3A_176 : memref<16x1024xf32, #tpu.memory_space<hbm>>) target_semaphore(%arg9 : memref<!tpu.dma_semaphore, #tpu.memory_space<semaphore_mem>>)
    %add3A_181 = arith.constant 0 : i32
    %add3A_182 = arith.addi %mul3A_2, %add3A_181 : i32
    %dma_wait3A_183 = arith.constant 0 : i32
    %dma_wait3A_184 = arith.constant 0 : i32
    %dma_wait3A_185 = arith.constant 0 : i32
    %dma_wait3A_186 = tpu.memref_slice %arg4[%dma_wait3A_183, %dma_wait3A_184, %dma_wait3A_185] : memref<4x16x1024xf32, #tpu.memory_space<vmem>> -> memref<1x16x1024xf32, #tpu.memory_space<vmem>>
    %dma_wait3A_187 = tpu.memref_squeeze %dma_wait3A_186 : memref<1x16x1024xf32, #tpu.memory_space<vmem>> -> memref<16x1024xf32, #tpu.memory_space<vmem>>
    %dma_wait3A_188 = arith.constant 0 : i32
    %dma_wait3A_189 = tpu.memref_slice %arg3[%add3A_182, %dma_wait3A_188] : memref<2048x1024xf32, #tpu.memory_space<hbm>> -> memref<16x1024xf32, #tpu.memory_space<hbm>>
    %dma_wait3A_190 = arith.constant 0 : i32
    %dma_wait3A_191 = tpu.memref_slice %arg3[%add3A_182, %dma_wait3A_190] : memref<2048x1024xf32, #tpu.memory_space<hbm>> -> memref<16x1024xf32, #tpu.memory_space<hbm>>
    %dma_wait3A_192 = arith.constant 0 : i32
    %dma_wait3A_193 = arith.constant 0 : i32
    %dma_wait3A_194 = tpu.memref_slice %arg4[%dma_wait3A_183, %dma_wait3A_192, %dma_wait3A_193] : memref<4x16x1024xf32, #tpu.memory_space<vmem>> -> memref<1x16x1024xf32, #tpu.memory_space<vmem>>
    %dma_wait3A_195 = tpu.memref_squeeze %dma_wait3A_194 : memref<1x16x1024xf32, #tpu.memory_space<vmem>> -> memref<16x1024xf32, #tpu.memory_space<vmem>>
    tpu.wait_dma2 semaphore(%arg9 : memref<!tpu.dma_semaphore, #tpu.memory_space<semaphore_mem>>) src(%dma_wait3A_195 : memref<16x1024xf32, #tpu.memory_space<vmem>>) dst(%dma_wait3A_191 : memref<16x1024xf32, #tpu.memory_space<hbm>>)
    %add3A_196 = arith.constant 16 : i32
    %add3A_197 = arith.addi %mul3A_2, %add3A_196 : i32
    %dma_wait3A_198 = arith.constant 1 : i32
    %dma_wait3A_199 = arith.constant 0 : i32
    %dma_wait3A_200 = arith.constant 0 : i32
    %dma_wait3A_201 = tpu.memref_slice %arg4[%dma_wait3A_198, %dma_wait3A_199, %dma_wait3A_200] : memref<4x16x1024xf32, #tpu.memory_space<vmem>> -> memref<1x16x1024xf32, #tpu.memory_space<vmem>>
    %dma_wait3A_202 = tpu.memref_squeeze %dma_wait3A_201 : memref<1x16x1024xf32, #tpu.memory_space<vmem>> -> memref<16x1024xf32, #tpu.memory_space<vmem>>
    %dma_wait3A_203 = arith.constant 0 : i32
    %dma_wait3A_204 = tpu.memref_slice %arg3[%add3A_197, %dma_wait3A_203] : memref<2048x1024xf32, #tpu.memory_space<hbm>> -> memref<16x1024xf32, #tpu.memory_space<hbm>>
    %dma_wait3A_205 = arith.constant 0 : i32
    %dma_wait3A_206 = tpu.memref_slice %arg3[%add3A_197, %dma_wait3A_205] : memref<2048x1024xf32, #tpu.memory_space<hbm>> -> memref<16x1024xf32, #tpu.memory_space<hbm>>
    %dma_wait3A_207 = arith.constant 0 : i32
    %dma_wait3A_208 = arith.constant 0 : i32
    %dma_wait3A_209 = tpu.memref_slice %arg4[%dma_wait3A_198, %dma_wait3A_207, %dma_wait3A_208] : memref<4x16x1024xf32, #tpu.memory_space<vmem>> -> memref<1x16x1024xf32, #tpu.memory_space<vmem>>
    %dma_wait3A_210 = tpu.memref_squeeze %dma_wait3A_209 : memref<1x16x1024xf32, #tpu.memory_space<vmem>> -> memref<16x1024xf32, #tpu.memory_space<vmem>>
    tpu.wait_dma2 semaphore(%arg9 : memref<!tpu.dma_semaphore, #tpu.memory_space<semaphore_mem>>) src(%dma_wait3A_210 : memref<16x1024xf32, #tpu.memory_space<vmem>>) dst(%dma_wait3A_206 : memref<16x1024xf32, #tpu.memory_space<hbm>>)
    %add3A_211 = arith.constant 32 : i32
    %add3A_212 = arith.addi %mul3A_2, %add3A_211 : i32
    %dma_wait3A_213 = arith.constant 2 : i32
    %dma_wait3A_214 = arith.constant 0 : i32
    %dma_wait3A_215 = arith.constant 0 : i32
    %dma_wait3A_216 = tpu.memref_slice %arg4[%dma_wait3A_213, %dma_wait3A_214, %dma_wait3A_215] : memref<4x16x1024xf32, #tpu.memory_space<vmem>> -> memref<1x16x1024xf32, #tpu.memory_space<vmem>>
    %dma_wait3A_217 = tpu.memref_squeeze %dma_wait3A_216 : memref<1x16x1024xf32, #tpu.memory_space<vmem>> -> memref<16x1024xf32, #tpu.memory_space<vmem>>
    %dma_wait3A_218 = arith.constant 0 : i32
    %dma_wait3A_219 = tpu.memref_slice %arg3[%add3A_212, %dma_wait3A_218] : memref<2048x1024xf32, #tpu.memory_space<hbm>> -> memref<16x1024xf32, #tpu.memory_space<hbm>>
    %dma_wait3A_220 = arith.constant 0 : i32
    %dma_wait3A_221 = tpu.memref_slice %arg3[%add3A_212, %dma_wait3A_220] : memref<2048x1024xf32, #tpu.memory_space<hbm>> -> memref<16x1024xf32, #tpu.memory_space<hbm>>
    %dma_wait3A_222 = arith.constant 0 : i32
    %dma_wait3A_223 = arith.constant 0 : i32
    %dma_wait3A_224 = tpu.memref_slice %arg4[%dma_wait3A_213, %dma_wait3A_222, %dma_wait3A_223] : memref<4x16x1024xf32, #tpu.memory_space<vmem>> -> memref<1x16x1024xf32, #tpu.memory_space<vmem>>
    %dma_wait3A_225 = tpu.memref_squeeze %dma_wait3A_224 : memref<1x16x1024xf32, #tpu.memory_space<vmem>> -> memref<16x1024xf32, #tpu.memory_space<vmem>>
    tpu.wait_dma2 semaphore(%arg9 : memref<!tpu.dma_semaphore, #tpu.memory_space<semaphore_mem>>) src(%dma_wait3A_225 : memref<16x1024xf32, #tpu.memory_space<vmem>>) dst(%dma_wait3A_221 : memref<16x1024xf32, #tpu.memory_space<hbm>>)
    %add3A_226 = arith.constant 48 : i32
    %add3A_227 = arith.addi %mul3A_2, %add3A_226 : i32
    %dma_wait3A_228 = arith.constant 3 : i32
    %dma_wait3A_229 = arith.constant 0 : i32
    %dma_wait3A_230 = arith.constant 0 : i32
    %dma_wait3A_231 = tpu.memref_slice %arg4[%dma_wait3A_228, %dma_wait3A_229, %dma_wait3A_230] : memref<4x16x1024xf32, #tpu.memory_space<vmem>> -> memref<1x16x1024xf32, #tpu.memory_space<vmem>>
    %dma_wait3A_232 = tpu.memref_squeeze %dma_wait3A_231 : memref<1x16x1024xf32, #tpu.memory_space<vmem>> -> memref<16x1024xf32, #tpu.memory_space<vmem>>
    %dma_wait3A_233 = arith.constant 0 : i32
    %dma_wait3A_234 = tpu.memref_slice %arg3[%add3A_227, %dma_wait3A_233] : memref<2048x1024xf32, #tpu.memory_space<hbm>> -> memref<16x1024xf32, #tpu.memory_space<hbm>>
    %dma_wait3A_235 = arith.constant 0 : i32
    %dma_wait3A_236 = tpu.memref_slice %arg3[%add3A_227, %dma_wait3A_235] : memref<2048x1024xf32, #tpu.memory_space<hbm>> -> memref<16x1024xf32, #tpu.memory_space<hbm>>
    %dma_wait3A_237 = arith.constant 0 : i32
    %dma_wait3A_238 = arith.constant 0 : i32
    %dma_wait3A_239 = tpu.memref_slice %arg4[%dma_wait3A_228, %dma_wait3A_237, %dma_wait3A_238] : memref<4x16x1024xf32, #tpu.memory_space<vmem>> -> memref<1x16x1024xf32, #tpu.memory_space<vmem>>
    %dma_wait3A_240 = tpu.memref_squeeze %dma_wait3A_239 : memref<1x16x1024xf32, #tpu.memory_space<vmem>> -> memref<16x1024xf32, #tpu.memory_space<vmem>>
    tpu.wait_dma2 semaphore(%arg9 : memref<!tpu.dma_semaphore, #tpu.memory_space<semaphore_mem>>) src(%dma_wait3A_240 : memref<16x1024xf32, #tpu.memory_space<vmem>>) dst(%dma_wait3A_236 : memref<16x1024xf32, #tpu.memory_space<hbm>>)
    return
  }
}

</mosaic_0001>

<sc_bundles>
// kernel: kernel.3.cloned.1.call-start
scs
__scs_entry_jumppad:
0x0: {  	(pc) =	sbr.rel $0x88, $3  }
0x1: {  	(tag) =	ssettag $0x0;
	lr =	simm.s32 $0x1  }
0x2: {  	[smem:$0x3FA0] =	sst lr;
	_ =	strace $0xD0000000  }
0x3: {  	_ = 	snop  }
0x4: {  	_ = 	snop  }
0x5: {  	_ = 	snop  }
0x6: {  	_ = 	snop  }
0x7: {  	_ = 	snop  }
__scs_overlays_trampoline_lowered:
0x8: {  	[smem:$0x3FAF] =	sst s0  }
0x9: {  	[smem:$0x3FB0] =	sst s1  }
0xa: {  	[smem:$0x3FB1] =	sst s2  }
0xb: {  	[smem:$0x3FB2] =	sst s3  }
0xc: {  	[smem:$0x3FB3] =	sst s4  }
0xd: {  	[smem:$0x3FB4] =	sst s5  }
0xe: {  	[smem:$0x3FB5] =	sst s6  }
0xf: {  	[smem:$0x3FB6] =	sst s7  }
0x10: {  	[smem:$0x3FB7] =	sst s8  }
0x11: {  	[smem:$0x3FB8] =	sst s9;
	s0 =	simm.s32 @!p0 $0x0  }
0x12: {  	s1 =	sld [smem:$0x3F9E];
	s0 =	simm.s32 @p0 $0x1  }
0x13: {  	[smem:$0x3FB9] =	sst s0;
	s0 =	simm.s32 @!p1 $0x0  }
0x14: {  	s2 =	sld [smem:$0x3F9D];
	s0 =	simm.s32 @p1 $0x1  }
0x15: {  	[smem:$0x3FBA] =	sst s0;
	s0 =	simm.s32 @!p2 $0x0  }
0x16: {  	s3 =	sld [smem:$0x3FDB];
	s0 =	simm.s32 @p2 $0x1  }
0x17: {  	s4 =	simm.s32 $0x1BF5;
	[smem:$0x3FBC] =	sst s0  }
0x18: {  	s0 =	sld [smem:$0x3F9F];
	_ =	swait.ge [sflag:s4], $0x0  }
0x19: {  	s7 =	sld [smem:$0x3FA0]  }
0x1a: {  	s8 =	sadd.s32 $0xFFFFE003, lr  }
0x1b: {  	s9 =	sadd.s32 $0xFFFFFEF7, lr;
	s5 =	simm.s32 $0xFFFFFFFF;
	p2 =	slt.u32 s8, $0xFFFFF086  }
0x1c: {  	p1 =	slt.u32 s9, $0xF7A;
	s5 =	simm.s32 @!p2 $0x0  }
0x1d: {  	s5 =	simm.s32 @p1 $0x1;
	p0 =	seq.s32 s7, s2  }
0x1e: {  	s7 =	smul.u32 @!p0 $0xF7A, s2;
	p2 =	seq.s32 @!p0 s5, $0x0  }
0x1f: {  	s9 =	smul.u32 $0xF7A, s1;
	s8 =	simm.s32 @!p0 $0x1BF5;
	p2 =	por !p2, p0  }
0x20: {  	[sflag:s8] =	ssyncset.s32 @!p0 $0xFFFFF086;
	s6 =	sadd.s32 @!p0 s3, s7;
	s7 =	simm.s32 @!p0 $0x108  }
0x21: {  	s3 =	sadd.s32 s3, s9;
	s6 =	sadd.s32 @!p0 $0x88, s6;
	s7 =	simm.s32 @p2 $0x1082  }
0x22: {  	[simem:s7], [sflag:s8] =	dma.local @!p0 [hbm:s6], $0xF7A  }
0x23: {  	s9 =	sor.u32 $0xD0000000, s2;
	s6 =	simm.s32 $0x108;
	_ =	swait.ge @!p0 [sflag:s8], $0x0  }
0x24: {  	s3 =	sadd.s32 $0x88, s3;
	s6 =	simm.s32 @!p1 $0x1082;
	[sflag:s4] =	ssyncset.s32 $0xFFFFF086  }
0x25: {  	[simem:s6], [sflag:s4] =	dma.local [hbm:s3], $0xF7A  }
0x26: {  	[smem:$0x3FA0] =	sst s1;
	(tag) =	ssettag s2;
	_ =	strace s9  }
0x27: {  	s1 =	sld [smem:$0x3FB0]  }
0x28: {  	s2 =	sld [smem:$0x3FB1]  }
0x29: {  	s4 =	sld [smem:$0x3FB3]  }
0x2a: {  	p0 =	seq.s32 s5, $0x0;
	s5 =	sld [smem:$0x3FB4]  }
0x2b: {  	s6 =	sld [smem:$0x3FB5]  }
0x2c: {  	s7 =	sld [smem:$0x3FB6]  }
0x2d: {  	s3 =	simm.s32 $0x108;
	s8 =	sld [smem:$0x3FB7]  }
0x2e: {  	s3 =	simm.s32 @!p0 $0x1082;
	s9 =	sld [smem:$0x3FB8]  }
0x2f: {  	lr =	sadd.s32 s0, s3;
	s0 =	sld [smem:$0x3FAF]  }
0x30: {  	s3 =	sld [smem:$0x3FB2]  }
0x31: {  	[smem:$0x3FBB] =	sst s10  }
0x32: {  	s10 =	sld [smem:$0x3FB9];
	_ =	sdelay $0x3  }
0x33: {  	p0 =	seq.s32 s10, $0x1;
	s10 =	sld [smem:$0x3FBB];
	_ =	sdelay $0x3  }
0x34: {  	[smem:$0x3FBB] =	sst s10  }
0x35: {  	s10 =	sld [smem:$0x3FBA];
	_ =	sdelay $0x3  }
0x36: {  	p1 =	seq.s32 s10, $0x1;
	s10 =	sld [smem:$0x3FBB];
	_ =	sdelay $0x3  }
0x37: {  	[smem:$0x3FBB] =	sst s10  }
0x38: {  	s10 =	sld [smem:$0x3FBC]  }
0x39: {  	_ = 	snop;
	(pc) =	sbr.ind lr, $3  }
0x3a: {  	_ = 	snop  }
0x3b: {  	_ = 	snop  }
0x3c: {  	p2 =	seq.s32 s10, $0x1;
	s10 =	sld [smem:$0x3FBB]  }
0x3d: {  	_ =	shalt  }
0x3e: {  	_ =	shalt  }
0x3f: {  	_ =	shalt  }
0x40: {  	_ =	shalt  }
0x41: {  	_ =	shalt  }
0x42: {  	_ =	shalt  }
0x43: {  	_ =	shalt  }
0x44: {  	_ =	shalt  }
0x45: {  	_ =	shalt  }
0x46: {  	_ =	shalt  }
0x47: {  	_ =	shalt  }
0x48: {  	_ =	shalt  }
0x49: {  	_ =	shalt  }
0x4a: {  	_ =	shalt  }
0x4b: {  	_ =	shalt  }
0x4c: {  	_ =	shalt  }
0x4d: {  	_ =	shalt  }
0x4e: {  	_ =	shalt  }
0x4f: {  	_ =	shalt  }
0x50: {  	_ =	shalt  }
0x51: {  	_ =	shalt  }
0x52: {  	_ =	shalt  }
0x53: {  	_ =	shalt  }
0x54: {  	_ =	shalt  }
0x55: {  	_ =	shalt  }
0x56: {  	_ =	shalt  }
0x57: {  	_ =	shalt  }
0x58: {  	_ =	shalt  }
0x59: {  	_ =	shalt  }
0x5a: {  	_ =	shalt  }
0x5b: {  	_ =	shalt  }
0x5c: {  	_ =	shalt  }
0x5d: {  	_ =	shalt  }
0x5e: {  	_ =	shalt  }
0x5f: {  	_ =	shalt  }
0x60: {  	_ =	shalt  }
0x61: {  	_ =	shalt  }
0x62: {  	_ =	shalt  }
0x63: {  	_ =	shalt  }
0x64: {  	_ =	shalt  }
0x65: {  	_ =	shalt  }
0x66: {  	_ =	shalt  }
0x67: {  	_ =	shalt  }
0x68: {  	_ =	shalt  }
0x69: {  	_ =	shalt  }
0x6a: {  	_ =	shalt  }
0x6b: {  	_ =	shalt  }
0x6c: {  	_ =	shalt  }
0x6d: {  	_ =	shalt  }
0x6e: {  	_ =	shalt  }
0x6f: {  	_ =	shalt  }
0x70: {  	_ =	shalt  }
0x71: {  	_ =	shalt  }
0x72: {  	_ =	shalt  }
0x73: {  	_ =	shalt  }
0x74: {  	_ =	shalt  }
0x75: {  	_ =	shalt  }
0x76: {  	_ =	shalt  }
0x77: {  	_ =	shalt  }
0x78: {  	_ =	shalt  }
0x79: {  	_ =	shalt  }
0x7a: {  	_ =	shalt  }
0x7b: {  	_ =	shalt  }
0x7c: {  	_ =	shalt  }
0x7d: {  	_ =	shalt  }
0x7e: {  	_ =	shalt  }
0x7f: {  	_ =	shalt  }
0x80: {  	_ =	shalt  }
0x81: {  	_ =	shalt  }
0x82: {  	_ =	shalt  }
0x83: {  	_ =	shalt  }
0x84: {  	_ =	shalt  }
0x85: {  	_ =	shalt  }
0x86: {  	_ =	shalt  }
0x87: {  	_ =	shalt  }
.Lfunc_end0:
.L_simem_size_0:
called_computation_lowered:
.L_overlay_start_0:
0x88: {  	s2 =	sld [smem:$0x3FD9]  }
0x89: {  	s3 =	sld [smem:$0x3FFE];
	_ =	sdelay $0x1  }
0x8a: {  	s1 =	srdreg.scid  }
0x8b: {  	s0 =	sand.u32 $0x1, s1  }
0x8c: {  	s18 =	sshll.u32 s0, $0xA;
	s2 =	sadd.s32 s3, s2  }
0x8d: {  	s2 =	sadd.s32 s2, s18  }
0x8e: {  	[smem:$0x3FC7] =	sst s2  }
0x8f: {  	_ = 	snop  }
0x90: {  	s2 =	sld [smem:$0x3FC9]  }
0x91: {  	s19 =	sld [smem:$0x3FD0];
	(tm) =	ssettm $0x1  }
0x92: {  	s4 =	sld [smem:$0x3FFB];
	_ =	sdelay $0x3  }
0x93: {  	_ =	strace s4  }
0x94: {  	s4 =	sld [smem:$0x3FFC];
	_ =	sdelay $0x3  }
0x95: {  	_ =	strace s4  }
0x96: {  	s4 =	sld [smem:$0x3FFD];
	_ =	sdelay $0x3  }
0x97: {  	_ =	strace s4  }
0x98: {  	_ =	strace $0x8FFFFFFF  }
0x99: {  	s20 =	sld [smem:$0x3FDB];
	_ =	sdelay $0x1  }
0x9a: {  	s5 =	simm.s32 $_scs_section_size  }
0x9b: {  	s6 =	simm.s32 $_size__tile_overlayer_lowered;
	s7 =	simm.s32 $_tile_overlayer_lowered  }
0x9c: {  	s23 =	simm.s32 $0x1BFF;
	s22 =	sshll.u32 s7, $0x1;
	s4 =	sadd.s32 s5, s20  }
0x9d: {  	s8 =	simm.s32 $0x0;
	s21 =	sshll.u32 s6, $0x1;
	s6 =	sadd.s32 s22, s4  }
0x9e: {  	[timem:s8], [sflag:s23] =	dma.local [hbm:s6], s21  }
0x9f: {  	_ =	swait.ge [sflag:s23], s21  }
0xa0: {  	s5 =	ssub.s32 $0x0, s21;
	[sflag:s23] =	ssyncset.done $0x0  }
0xa1: {  	[sflag:s23] =	ssyncadd.s32 s5;
	_ =	sdelay $0x1  }
0xa2: {  	s24 =	simm.s32 $0x1B8B  }
0xa3: {  	_ =	swait.ge [sflag:s24], $0x1  }
0xa4: {  	[sflag:s24] =	ssyncset.done $0x0  }
0xa5: {  	s25 =	simm.s32 $0x1B8E;
	[sflag:s24] =	ssyncadd.s32 $0xFFFFFFFF  }
0xa6: {  	s26 =	simm.s32 $execute0_lowered;
	[smem:$0x3FD2] =	sst s25  }
0xa7: {  	s5 =	sshll.u32 s26, $0x1;
	_ =	strace $0x80000046;
	[dreg:$0x1] =	wrdreg $0xFFFFFFFF  }
0xa8: {  	s28 =	simm.s32 $_size_execute0_lowered;
	s4 =	sadd.s32 s4, s5;
	[dreg:$0x0] =	wrdreg $0x0  }
0xa9: {  	s5 =	sshll.u32 s28, $0x1;
	[dreg:$0x2] =	wrdreg s4  }
0xaa: {  	[dreg:$0x3] =	wrdreg s5  }
0xab: {  	[dreg:$0x4] =	wrdreg $0xC0  }
0xac: {  	_ =	task [dreg:s8], $0x5FFFF  }
0xad: {  	[dreg:$0x1] =	wrdreg $0xFFFFFFFF  }
0xae: {  	[dreg:$0x0] =	wrdreg $0x60  }
0xaf: {  	[dreg:$0x2] =	wrdreg s2  }
0xb0: {  	[dreg:$0x3] =	wrdreg s19  }
0xb1: {  	[dreg:$0x4] =	wrdreg $0x9  }
0xb2: {  	_ =	task.clear_ibuf [dreg:s8], $0x5FFFF;
	_ =	strace $0x90000046  }
0xb3: {  	s29 =	simm.s32 $0x9;
	_ =	strace $0x80000048  }
0xb4: {  	_ =	swait.ge [sflag:s29], $0x1  }
0xb5: {  	[sflag:s29] =	ssyncadd.s32 $0xFFFFFFFF  }
0xb6: {  	_ =	strace $0x90000048  }
0xb7: {  	_ =	sfence  }
0xb8: {  	s30 =	sld [smem:$0x0];
	_ =	sdelay $0x2  }
0xb9: {  	s31 =	sshll.u32 s1, $0xD;
	s1 =	sshrl.u32 s1, $0x2  }
0xba: {  	s3 =	sand.u32 $0x4000, s31;
	s1 =	sadd.s32 s1, s30  }
0xbb: {  	s0 =	sor.u32 s3, s0;
	s1 =	sshll.u32 s1, $0x11  }
0xbc: {  	s0 =	sor.u32 s1, s0  }
0xbd: {  	s0 =	sadd.s32 $0x8F2B, s0  }
0xbe: {  	[sflag:s0] =	ssyncadd.remote.s32 $0x1  }
0xbf: {  	_ =	sfence.sel $0xFFFF  }
0xc0: {  	[dreg:$0x0] =	wrdreg $0xFFFFFFFF;
	(pc) =	sbr.abs _section_cstart, $3  }
0xc1: {  	[dreg:$0x1] =	wrdreg $0xFFFFFFFF  }
0xc2: {  	_ =	task.clear_ibuf [dreg:s8], $0x2FFFF;
	_ =	strace $0x9FFFFFFF  }
0xc3: {  	(tm) =	ssettm $0x7FFFFFFF  }
tec
execute0_lowered:
.L_overlay_start_1:
0x0: {  	(tag) =	ssettag $0x1  }
0x1: {  	s8 =	rddreg [dreg:$0x0]  }
0x2: {  	s17 =	rddreg [dreg:$0x1];
	s2 =	srdreg.scid  }
0x3: {  	s0 =	rddreg [dreg:$0x2];
	s1 =	stileid.u32;
	s19 =	sand.u32 $0x1, s2  }
0x4: {  	s2 =	simm.s32 $0x0;
	s3 =	sshll.u32 s1, $0xE;
	s4 =	sshll.u32 s19, $0xD  }
0x5: {  	[smem:$0x7FF] =	sst s2;
	s11 =	sor.u32 s4, s3  }
0x6: {  	_ =	strace $0x80000047;
	s3 =	sadd.s32 s8, s11;
	s13 =	sor.u32 $0x800, s11  }
0x7: {  	[tilespmem:s2], [sflag:$0x1] =	stream.linear.gather [hbm4b:s3+s2], $0x4000, $0x38;
	[tilespmem:$0x10000] =	vst v63  }
0x8: {  	s5 =	simm.s32 $0x4000;
	s15 =	sor.u32 $0x1000, s11;
	s4 =	sadd.s32 s8, s13  }
0x9: {  	[tilespmem:s5], [sflag:$0x2] =	stream.linear.gather [hbm4b:s4+s2], $0x4000, $0x38;
	[tilespmem:$0x10000] =	vst v63  }
0xa: {  	s7 =	simm.s32 $0x8000;
	s18 =	sor.u32 $0x1800, s11;
	s6 =	sadd.s32 s8, s15  }
0xb: {  	[tilespmem:s7], [sflag:$0x3] =	stream.linear.gather [hbm4b:s6+s2], $0x4000, $0x38;
	[tilespmem:$0x10000] =	vst v63  }
0xc: {  	s9 =	simm.s32 $0xC000;
	s10 =	simm.s32 $0x1;
	s8 =	sadd.s32 s8, s18  }
0xd: {  	[tilespmem:s9], [sflag:$0x4] =	stream.linear.gather [hbm4b:s8+s2], $0x4000, $0x38;
	[tilespmem:$0x10000] =	vst v63  }
0xe: {  	_ =	swait.ge [sflag:s10], $0x4000  }
0xf: {  	[sflag:s10] =	ssyncset.done $0x0  }
0x10: {  	s12 =	simm.s32 $0x2;
	s11 =	sadd.s32 s17, s11;
	[sflag:s10] =	ssyncadd.s32 $0xFFFFC000  }
0x11: {  	[hbm4b:s11+s2] =	stream.linear.scatter [tilespmem:s2], [sflag:$0x5], $0x4000, $0x38;
	[tilespmem:$0x10000] =	vst v63  }
0x12: {  	_ =	swait.ge [sflag:s12], $0x4000  }
0x13: {  	[sflag:s12] =	ssyncset.done $0x0  }
0x14: {  	s14 =	simm.s32 $0x3;
	s13 =	sadd.s32 s17, s13;
	[sflag:s12] =	ssyncadd.s32 $0xFFFFC000  }
0x15: {  	[hbm4b:s13+s2] =	stream.linear.scatter [tilespmem:s5], [sflag:$0x5], $0x4000, $0x38;
	[tilespmem:$0x10000] =	vst v63  }
0x16: {  	_ =	swait.ge [sflag:s14], $0x4000  }
0x17: {  	[sflag:s14] =	ssyncset.done $0x0  }
0x18: {  	s16 =	simm.s32 $0x4;
	s15 =	sadd.s32 s17, s15;
	[sflag:s14] =	ssyncadd.s32 $0xFFFFC000  }
0x19: {  	[hbm4b:s15+s2] =	stream.linear.scatter [tilespmem:s7], [sflag:$0x5], $0x4000, $0x38;
	[tilespmem:$0x10000] =	vst v63  }
0x1a: {  	_ =	swait.ge [sflag:s16], $0x4000  }
0x1b: {  	[sflag:s16] =	ssyncset.done $0x0  }
0x1c: {  	s18 =	sadd.s32 s17, s18;
	s17 =	simm.s32 $0x5;
	[sflag:s16] =	ssyncadd.s32 $0xFFFFC000  }
0x1d: {  	[hbm4b:s18+s2] =	stream.linear.scatter [tilespmem:s9], [sflag:$0x5], $0x4000, $0x38;
	[tilespmem:$0x10000] =	vst v63  }
0x1e: {  	_ =	swait.ge [sflag:s17], $0x4000  }
0x1f: {  	s19 =	ssub.s32 $0x2, s19;
	[sflag:s17] =	ssyncset.done $0x0  }
0x20: {  	s20 =	sshrl.u32 s19, $0x1;
	[sflag:s17] =	ssyncadd.s32 $0xFFFFC000  }
0x21: {  	s19 =	ssub.s32 s19, s20;
	_ =	swait.ge [sflag:s17], $0x4000  }
0x22: {  	s19 =	smax.u32 s19, $0x1;
	[sflag:s17] =	ssyncset.done $0x0  }
0x23: {  	p0 =	sne.s32 s19, $0x1;
	[sflag:s17] =	ssyncadd.s32 $0xFFFFC000  }
.Ltmp0:
0x24: {  	_ =	swait.ge [sflag:s17], $0x4000;
	(pc) =	sbr.rel @!p0 .LBB2_2-.Ltmp0, $4  }
0x25: {  	[sflag:s17] =	ssyncset.done $0x0  }
0x26: {  	[sflag:s17] =	ssyncadd.s32 $0xFFFFC000  }
0x27: {  	_ =	swait.ge [sflag:s17], $0x4000  }
0x28: {  	s19 =	sadd.s32 $0xFFFFFFFF, s19;
	[sflag:s17] =	ssyncset.done $0x0  }
.LBB2_1:
0x29: {  	p0 =	sne.s32 s19, $0x1;
	s19 =	sadd.s32 $0xFFFFFFFF, s19;
	[sflag:s17] =	ssyncadd.s32 $0xFFFFC000  }
0x2a: {  	[tilespmem:s2], [sflag:$0x1] =	stream.linear.gather [hbm4b:s3+s2], $0x4000, $0x38;
	[tilespmem:$0x10000] =	vst v63  }
0x2b: {  	_ = 	snop  }
0x2c: {  	[tilespmem:s5], [sflag:$0x2] =	stream.linear.gather [hbm4b:s4+s2], $0x4000, $0x38;
	[tilespmem:$0x10000] =	vst v63  }
0x2d: {  	_ = 	snop  }
0x2e: {  	[tilespmem:s7], [sflag:$0x3] =	stream.linear.gather [hbm4b:s6+s2], $0x4000, $0x38;
	[tilespmem:$0x10000] =	vst v63  }
0x2f: {  	_ = 	snop  }
0x30: {  	[tilespmem:s9], [sflag:$0x4] =	stream.linear.gather [hbm4b:s8+s2], $0x4000, $0x38;
	[tilespmem:$0x10000] =	vst v63  }
0x31: {  	_ =	swait.ge [sflag:s10], $0x4000  }
0x32: {  	[sflag:s10] =	ssyncset.done $0x0  }
0x33: {  	[sflag:s10] =	ssyncadd.s32 $0xFFFFC000  }
0x34: {  	[hbm4b:s11+s2] =	stream.linear.scatter [tilespmem:s2], [sflag:$0x5], $0x4000, $0x38;
	[tilespmem:$0x10000] =	vst v63  }
0x35: {  	_ =	swait.ge [sflag:s12], $0x4000  }
0x36: {  	[sflag:s12] =	ssyncset.done $0x0  }
0x37: {  	[sflag:s12] =	ssyncadd.s32 $0xFFFFC000  }
0x38: {  	[hbm4b:s13+s2] =	stream.linear.scatter [tilespmem:s5], [sflag:$0x5], $0x4000, $0x38;
	[tilespmem:$0x10000] =	vst v63  }
0x39: {  	_ =	swait.ge [sflag:s14], $0x4000  }
0x3a: {  	[sflag:s14] =	ssyncset.done $0x0  }
0x3b: {  	[sflag:s14] =	ssyncadd.s32 $0xFFFFC000  }
0x3c: {  	[hbm4b:s15+s2] =	stream.linear.scatter [tilespmem:s7], [sflag:$0x5], $0x4000, $0x38;
	[tilespmem:$0x10000] =	vst v63  }
0x3d: {  	_ =	swait.ge [sflag:s16], $0x4000  }
0x3e: {  	[sflag:s16] =	ssyncset.done $0x0  }
0x3f: {  	[sflag:s16] =	ssyncadd.s32 $0xFFFFC000  }
0x40: {  	[hbm4b:s18+s2] =	stream.linear.scatter [tilespmem:s9], [sflag:$0x5], $0x4000, $0x38;
	[tilespmem:$0x10000] =	vst v63  }
0x41: {  	_ =	swait.ge [sflag:s17], $0x4000  }
0x42: {  	[sflag:s17] =	ssyncset.done $0x0  }
0x43: {  	[sflag:s17] =	ssyncadd.s32 $0xFFFFC000  }
0x44: {  	_ =	swait.ge [sflag:s17], $0x4000  }
0x45: {  	[sflag:s17] =	ssyncset.done $0x0  }
0x46: {  	[sflag:s17] =	ssyncadd.s32 $0xFFFFC000  }
.Ltmp1:
0x47: {  	_ =	swait.ge [sflag:s17], $0x4000;
	(pc) =	sbr.rel @p0 .LBB2_1-.Ltmp1, $4  }
0x48: {  	[sflag:s17] =	ssyncset.done $0x0  }
0x49: {  	[sflag:s17] =	ssyncadd.s32 $0xFFFFC000  }
0x4a: {  	_ =	swait.ge [sflag:s17], $0x4000  }
0x4b: {  	[sflag:s17] =	ssyncset.done $0x0  }
.LBB2_2:
0x4c: {  	[sflag:s17] =	ssyncadd.s32 $0xFFFFC000  }
0x4d: {  	_ =	sfence.sel $0x180000  }
0x4e: {  	[bflag:$0x0] =	sbarrier.arrive $0xFFFF  }
0x4f: {  	p0 =	sne.s32 s1, $0x0;
	_ =	strace $0x90000047  }
0x50: {  	s0 =	sadd.s32 @!p0 $0x100000, s0;
	[bflag:$0x2] =	sbarrier.arrive $0xFFFF  }
0x51: {  	[sflag:s0] =	ssyncadd.tile.s32 @!p0 $0x1;
	_ =	shalt  }
.Lfunc_end2:
_tile_overlayer_lowered:
.L_overlay_start_2:
0x52: {  	(tag) =	ssettag $0x2  }
0x53: {  	s0 =	rddreg [dreg:$0x0];
	s2 =	stileid.u32  }
0x54: {  	s1 =	rddreg [dreg:$0x1];
	p0 =	sne.s32 s2, $0x0  }
0x55: {  	s3 =	rddreg [dreg:$0x2];
	[bflag:$0x3] =	sbarrier.arrive $0xFFFF;
	s2 =	simm.s32 @!p0 $0x1C06  }
0x56: {  	[timem:s3], [sflag:s2] =	dma.local @!p0 [hbm:s0], s1  }
0x57: {  	s0 =	simm.s32 @!p0 $0x6  }
0x58: {  	_ =	swait.ge @!p0 [sflag:s0], s1  }
0x59: {  	s1 =	ssub.s32 @!p0 $0x0, s1;
	[sflag:s0] =	ssyncset.done @!p0 $0x0  }
0x5a: {  	[sflag:s0] =	ssyncadd.s32 @!p0 s1  }
0x5b: {  	[bflag:$0x3] =	sbarrier.arrive $0xFFFF  }
0x5c: {  	_ =	shalt  }

</sc_bundles>
